<compile_context>
chip_gen: v7x
topology: tpu7x:2x2x1
jax: 0.10.2.dev20260603
libtpu: 0.0.44.dev20260713+nightly
codegen_flags: <defaults>
</compile_context>

<pallas_src>
import functools

import jax
import jax.numpy as jnp
from jax import lax
from jax.experimental import pallas as pl
from jax.experimental.pallas import tpu as pltpu
from jax.experimental.pallas import tpu_sc as plsc

_B, _F, _V, _D = 4096, 26, 1000000, 10
_N = _B * _F
_NA = _N * _D
_NC, _NS = 2, 16
_NW = _NC * _NS
_PER = _NA // _NW
_CH = 128
_NCH = _PER // _CH


def _sc_gather_both(addr_flat, t1_flat, t2_flat):
    mesh = plsc.VectorSubcoreMesh(core_axis_name="c", subcore_axis_name="s")

    @functools.partial(
        pl.kernel,
        out_type=(jax.ShapeDtypeStruct((_NA,), jnp.float32),
                  jax.ShapeDtypeStruct((_NA,), jnp.float32)),
        mesh=mesh,
        scratch_types=[
            pltpu.VMEM((_PER,), jnp.int32),
            pltpu.VMEM((_PER,), jnp.float32),
            pltpu.VMEM((_PER,), jnp.float32),
            pltpu.SemaphoreType.DMA,
        ],
    )
    def k(addr_hbm, t1_hbm, t2_hbm, o1_hbm, o2_hbm, addr_v, v1, v2, sem):
        w = lax.axis_index("s") * _NC + lax.axis_index("c")
        base = w * _PER
        pltpu.sync_copy(addr_hbm.at[pl.ds(base, _PER)], addr_v)

        @pl.loop(0, _NCH)
        def _(c):
            sl = pl.ds(c * _CH, _CH)
            pltpu.async_copy(t1_hbm.at[addr_v.at[sl]], v1.at[sl], sem)
            pltpu.async_copy(t2_hbm.at[addr_v.at[sl]], v2.at[sl], sem)

        @pl.loop(0, _NCH)
        def _(c):
            sl = pl.ds(c * _CH, _CH)
            pltpu.make_async_copy(t1_hbm.at[addr_v.at[sl]], v1.at[sl], sem).wait()
            pltpu.make_async_copy(t2_hbm.at[addr_v.at[sl]], v2.at[sl], sem).wait()

        pltpu.sync_copy(v1, o1_hbm.at[pl.ds(base, _PER)])
        pltpu.sync_copy(v2, o2_hbm.at[pl.ds(base, _PER)])

    return k(addr_flat, t1_flat, t2_flat)


_LB = 16384
_NBLK = (_V + _LB - 1) // _LB
_OBR = _LB * _D // 128
_FLAT = _NBLK * _LB * _D


def _tc_flatten2(t1, t2):
    def body(i1_ref, i2_ref, o1_ref, o2_ref):
        o1_ref[...] = i1_ref[...].reshape(_LB * _D)
        o2_ref[...] = i2_ref[...].reshape(_LB * _D)

    ispec = pl.BlockSpec((_D, _LB), lambda i: (0, i))
    ospec = pl.BlockSpec((_LB * _D,), lambda i: (i,))
    oshape = jax.ShapeDtypeStruct((_FLAT,), jnp.float32)
    o1, o2 = pl.pallas_call(
        body,
        grid=(_NBLK,),
        in_specs=[ispec, ispec],
        out_specs=[ospec, ospec],
        out_shape=[oshape, oshape],
    )(t1.T, t2.T)
    return o1, o2


def _towers(gd, gn, dW0, db0, dW1, db1, dW2, db2, dW3, db3,
            nW0, nb0, nW1, nb1, nW2, nb2, nW3, nb3, nW4, nb4):
    def body(gd_ref, gn_ref, dW0r, db0r, dW1r, db1r, dW2r, db2r, dW3r, db3r,
             nW0r, nb0r, nW1r, nb1r, nW2r, nb2r, nW3r, nb3r, nW4r, nb4r,
             defer_o, dnn_o):
        def norm(h):
            mu = jnp.mean(h, axis=0, keepdims=True)
            var = jnp.var(h, axis=0, keepdims=True)
            return (h - mu) / jnp.sqrt(var + 1e-5)

        def mm(a, b):
            return jnp.dot(a, b, preferred_element_type=jnp.float32)

        h = norm(gn_ref[...])
        h = jnp.maximum(mm(h, nW0r[...]) + nb0r[...], 0.0)
        h = jnp.maximum(mm(h, nW1r[...]) + nb1r[...], 0.0)
        h = jnp.maximum(mm(h, nW2r[...]) + nb2r[...], 0.0)
        h = jnp.maximum(mm(h, nW3r[...]) + nb3r[...], 0.0)
        dnn_o[...] = jax.nn.sigmoid(mm(h, nW4r[...]) + nb4r[...])

        g = norm(gd_ref[...])
        g = jnp.maximum(mm(g, dW0r[...]) + db0r[...], 0.0)
        g = jnp.maximum(mm(g, dW1r[...]) + db1r[...], 0.0)
        g = jnp.maximum(mm(g, dW2r[...]) + db2r[...], 0.0)
        defer_o[...] = jax.nn.sigmoid(mm(g, dW3r[...]) + db3r[...])

    out = (jax.ShapeDtypeStruct((_B, 1), jnp.float32),
           jax.ShapeDtypeStruct((_B, 1), jnp.float32))
    return pl.pallas_call(body, out_shape=out)(
        gd, gn, dW0, db0, dW1, db1, dW2, db2, dW3, db3,
        nW0, nb0, nW1, nb1, nW2, nb2, nW3, nb3, nW4, nb4)


def kernel(x, defer_table, dnn_table, dW0, db0, dW1, db1, dW2, db2, dW3, db3,
           nW0, nb0, nW1, nb1, nW2, nb2, nW3, nb3, nW4, nb4):
    v = x.reshape(_N, 1).astype(jnp.int32)
    addr = ((v >> 14) * (_LB * _D) + (v & (_LB - 1))
            + jnp.arange(_D, dtype=jnp.int32) * _LB).reshape(_NA)

    td_flat, tn_flat = _tc_flatten2(defer_table, dnn_table)
    od, on = _sc_gather_both(addr, td_flat, tn_flat)
    g_defer = od.reshape(_B, _F * _D)
    g_dnn = on.reshape(_B, _F * _D)
    defer_out, dnn_out = _towers(
        g_defer, g_dnn, dW0, db0, dW1, db1, dW2, db2, dW3, db3,
        nW0, nb0, nW1, nb1, nW2, nb2, nW3, nb3, nW4, nb4)
    return (defer_out, dnn_out)

# --- scband reference (transcript-rebuilt; emitter-appended) ---
"""Pipeline reference for scband-defer-86955907875148 (READ-ONLY COPY).

The authoritative reference and input builder live on the scoring server;
editing this copy changes nothing except your own understanding.
"""

import jax, jax.numpy as jnp
import numpy as np

B = 4096
F = 26
V = 1000000
D = 10
DEFER_UNITS = [64, 32, 16]
DNN_UNITS = [1024, 512, 256, 128]


def _mlp_params(key, in_dim, units, out_dim):
    dims = [in_dim] + units + [out_dim]
    params = []
    for i in range(len(dims) - 1):
        key, k1, k2 = jax.random.split(key, 3)
        W = jax.random.normal(k1, (dims[i], dims[i + 1]), dtype=jnp.float32) * np.sqrt(2.0 / dims[i])
        b = jnp.zeros((dims[i + 1],), dtype=jnp.float32)
        params.append(W)
        params.append(b)
    return params


def setup_inputs(seed: int = 0) -> dict:
    key = jax.random.key(seed)
    k0, k1, k2, k3, k4 = jax.random.split(key, 5)
    inp = {}
    inp["x"] = jax.random.randint(k0, (B, F), 0, V, dtype=jnp.int32)
    # NormalTensorInitializer(var=0.01) -> std=0.1
    inp["defer_table"] = jax.random.normal(k1, (V, D), dtype=jnp.float32) * 0.1
    inp["dnn_table"] = jax.random.normal(k2, (V, D), dtype=jnp.float32) * 0.1
    dp = _mlp_params(k3, F * D, DEFER_UNITS, 1)
    inp["dW0"], inp["db0"], inp["dW1"], inp["db1"], inp["dW2"], inp["db2"], inp["dW3"], inp["db3"] = dp
    npar = _mlp_params(k4, F * D, DNN_UNITS, 1)
    (inp["nW0"], inp["nb0"], inp["nW1"], inp["nb1"], inp["nW2"], inp["nb2"],
     inp["nW3"], inp["nb3"], inp["nW4"], inp["nb4"]) = npar
    return inp


def _input_norm(h):
    # MLPLayer(input_norm=True): batch-norm style normalization over the batch dim
    mu = jnp.mean(h, axis=0, keepdims=True)
    var = jnp.var(h, axis=0, keepdims=True)
    return (h - mu) / jnp.sqrt(var + 1e-5)


def _embedding_sum_concat(table, x):
    # gather per-field embeddings and concat: [B, F] -> [B, F, D] -> [B, F*D]
    emb = jnp.take(table, x, axis=0)
    return emb.reshape(emb.shape[0], -1)


def reference(x, defer_table, dnn_table, dW0, db0, dW1, db1, dW2, db2, dW3, db3,
              nW0, nb0, nW1, nb1, nW2, nb2, nW3, nb3, nW4, nb4):
    # frozen deep branch (torch.no_grad in original)
    h = _embedding_sum_concat(dnn_table, x)
    h = _input_norm(h)
    h = jax.nn.relu(h @ nW0 + nb0)
    h = jax.nn.relu(h @ nW1 + nb1)
    h = jax.nn.relu(h @ nW2 + nb2)
    h = jax.nn.relu(h @ nW3 + nb3)
    dnn_out = jax.nn.sigmoid(h @ nW4 + nb4)
    dnn_out = jax.lax.stop_gradient(dnn_out)
    # defer branch
    g = _embedding_sum_concat(defer_table, x)
    g = _input_norm(g)
    g = jax.nn.relu(g @ dW0 + db0)
    g = jax.nn.relu(g @ dW1 + db1)
    g = jax.nn.relu(g @ dW2 + db2)
    defer_out = jax.nn.sigmoid(g @ dW3 + db3)
    return (defer_out, dnn_out)

if __name__ == "__main__":
    import jax
    _d = setup_inputs()
    print(jax.jit(kernel)(*tuple(_d.values())))

</pallas_src>

<mosaic_0001>
#map = affine_map<(d0, d1) -> (0)>
module attributes {stable_mosaic.version = 14 : i64} {
  func.func @k(%arg0: i32, %arg1: i32, %arg2: memref<1064960xi32, #tpu.memory_space<hbm>>, %arg3: memref<10158080xf32, #tpu.memory_space<hbm>>, %arg4: memref<10158080xf32, #tpu.memory_space<hbm>>, %arg5: memref<1064960xf32, #tpu.memory_space<hbm>>, %arg6: memref<1064960xf32, #tpu.memory_space<hbm>>, %arg7: memref<33280xi32, #tpu.memory_space<vmem>>, %arg8: memref<33280xf32, #tpu.memory_space<vmem>>, %arg9: memref<33280xf32, #tpu.memory_space<vmem>>, %arg10: memref<!tpu.dma_semaphore, #tpu.memory_space<semaphore_mem>>) attributes {dimension_semantics = [#tpu.dimension_semantics<core_parallel>, #tpu.dimension_semantics<subcore_parallel>], iteration_bounds = array<i64: 2, 16>, scalar_prefetch = 0 : i64, scratch_operands = 4 : i64, tpu.core_type = #tpu.core_type<sc_vector_subcore>, window_params = [{transform_indices = #map}, {transform_indices = #map}, {transform_indices = #map}, {transform_indices = #map}, {transform_indices = #map}]} {
    %mul3A = arith.constant 2 : i32
    %mul3A_0 = arith.muli %arg1, %mul3A : i32
    %add3A = arith.addi %mul3A_0, %arg0 : i32
    %mul3A_1 = arith.constant 33280 : i32
    %mul3A_2 = arith.muli %add3A, %mul3A_1 : i32
    "tpu.region"() ({
      %run_scoped3A = tpu.sem_alloc : memref<!tpu.dma_semaphore, #tpu.memory_space<semaphore_mem>>
      %dma_start3A = tpu.memref_slice %arg2[%mul3A_2] : memref<1064960xi32, #tpu.memory_space<hbm>> -> memref<33280xi32, #tpu.memory_space<hbm>>
      %dma_start3A_12 = tpu.memref_slice %arg2[%mul3A_2] : memref<1064960xi32, #tpu.memory_space<hbm>> -> memref<33280xi32, #tpu.memory_space<hbm>>
      tpu.enqueue_dma source(%dma_start3A_12 : memref<33280xi32, #tpu.memory_space<hbm>>) target(%arg7 : memref<33280xi32, #tpu.memory_space<vmem>>) target_semaphore(%run_scoped3A : memref<!tpu.dma_semaphore, #tpu.memory_space<semaphore_mem>>)
      %dma_wait3A = tpu.memref_slice %arg2[%mul3A_2] : memref<1064960xi32, #tpu.memory_space<hbm>> -> memref<33280xi32, #tpu.memory_space<hbm>>
      %dma_wait3A_13 = tpu.memref_slice %arg2[%mul3A_2] : memref<1064960xi32, #tpu.memory_space<hbm>> -> memref<33280xi32, #tpu.memory_space<hbm>>
      tpu.wait_dma2 semaphore(%run_scoped3A : memref<!tpu.dma_semaphore, #tpu.memory_space<semaphore_mem>>) src(%dma_wait3A_13 : memref<33280xi32, #tpu.memory_space<hbm>>) dst(%arg7 : memref<33280xi32, #tpu.memory_space<vmem>>)
      tpu.yield
    }) : () -> ()
    %scan3A = arith.constant 0 : i32
    %scan3A_3 = arith.constant 260 : i32
    %scan3A_4 = arith.addi %scan3A, %scan3A_3 : i32
    %scan3A_5 = arith.constant 1 : i32
    scf.for %scan3A_12 = %scan3A to %scan3A_4 step %scan3A_5  : i32 {
      %mul3A_13 = arith.constant 1 : i32
      %mul3A_14 = arith.muli %scan3A_12, %mul3A_13 : i32
      %add3A_15 = arith.constant 0 : i32
      %add3A_16 = arith.addi %add3A_15, %mul3A_14 : i32
      %mul3A_17 = arith.constant 128 : i32
      %mul3A_18 = arith.muli %add3A_16, %mul3A_17 : i32
      %dma_start3A = tpu.memref_slice %arg8[%mul3A_18] : memref<33280xf32, #tpu.memory_space<vmem>> -> memref<128xf32, #tpu.memory_space<vmem>>
      %dma_start3A_19 = tpu.memref_slice %arg7[%mul3A_18] : memref<33280xi32, #tpu.memory_space<vmem>> -> memref<128xi32, #tpu.memory_space<vmem>>
      %dma_start3A_20 = arith.constant 0 : i32
      %dma_start3A_21 = tpu.memref_slice %arg3[%dma_start3A_20] : memref<10158080xf32, #tpu.memory_space<hbm>> -> memref<10158080xf32, #tpu.memory_space<hbm>>
      tpu.enqueue_indirect_dma source(%dma_start3A_21 : memref<10158080xf32, #tpu.memory_space<hbm>>) target(%dma_start3A : memref<128xf32, #tpu.memory_space<vmem>>) offsets(%dma_start3A_19 : memref<128xi32, #tpu.memory_space<vmem>>) semaphore(%arg10 : memref<!tpu.dma_semaphore, #tpu.memory_space<semaphore_mem>>)
      %dma_start3A_22 = tpu.memref_slice %arg9[%mul3A_18] : memref<33280xf32, #tpu.memory_space<vmem>> -> memref<128xf32, #tpu.memory_space<vmem>>
      %dma_start3A_23 = tpu.memref_slice %arg7[%mul3A_18] : memref<33280xi32, #tpu.memory_space<vmem>> -> memref<128xi32, #tpu.memory_space<vmem>>
      %dma_start3A_24 = arith.constant 0 : i32
      %dma_start3A_25 = tpu.memref_slice %arg4[%dma_start3A_24] : memref<10158080xf32, #tpu.memory_space<hbm>> -> memref<10158080xf32, #tpu.memory_space<hbm>>
      tpu.enqueue_indirect_dma source(%dma_start3A_25 : memref<10158080xf32, #tpu.memory_space<hbm>>) target(%dma_start3A_22 : memref<128xf32, #tpu.memory_space<vmem>>) offsets(%dma_start3A_23 : memref<128xi32, #tpu.memory_space<vmem>>) semaphore(%arg10 : memref<!tpu.dma_semaphore, #tpu.memory_space<semaphore_mem>>)
    }
    %scan3A_6 = arith.constant 260 : i32
    %scan3A_7 = arith.constant 0 : i32
    %scan3A_8 = arith.constant 260 : i32
    %scan3A_9 = arith.addi %scan3A_7, %scan3A_8 : i32
    %scan3A_10 = arith.constant 1 : i32
    scf.for %scan3A_12 = %scan3A_7 to %scan3A_9 step %scan3A_10  : i32 {
      %mul3A_13 = arith.constant 1 : i32
      %mul3A_14 = arith.muli %scan3A_12, %mul3A_13 : i32
      %add3A_15 = arith.constant 0 : i32
      %add3A_16 = arith.addi %add3A_15, %mul3A_14 : i32
      %mul3A_17 = arith.constant 128 : i32
      %mul3A_18 = arith.muli %add3A_16, %mul3A_17 : i32
      %dma_wait3A = tpu.memref_slice %arg8[%mul3A_18] : memref<33280xf32, #tpu.memory_space<vmem>> -> memref<128xf32, #tpu.memory_space<vmem>>
      %dma_wait3A_19 = tpu.memref_slice %arg7[%mul3A_18] : memref<33280xi32, #tpu.memory_space<vmem>> -> memref<128xi32, #tpu.memory_space<vmem>>
      %dma_wait3A_20 = arith.constant 0 : i32
      %dma_wait3A_21 = tpu.memref_slice %arg3[%dma_wait3A_20] : memref<10158080xf32, #tpu.memory_space<hbm>> -> memref<10158080xf32, #tpu.memory_space<hbm>>
      tpu.wait_indirect_dma semaphore(%arg10 : memref<!tpu.dma_semaphore, #tpu.memory_space<semaphore_mem>>) src(%dma_wait3A_21 : memref<10158080xf32, #tpu.memory_space<hbm>>) dst(%dma_wait3A : memref<128xf32, #tpu.memory_space<vmem>>)
      %dma_wait3A_22 = tpu.memref_slice %arg9[%mul3A_18] : memref<33280xf32, #tpu.memory_space<vmem>> -> memref<128xf32, #tpu.memory_space<vmem>>
      %dma_wait3A_23 = tpu.memref_slice %arg7[%mul3A_18] : memref<33280xi32, #tpu.memory_space<vmem>> -> memref<128xi32, #tpu.memory_space<vmem>>
      %dma_wait3A_24 = arith.constant 0 : i32
      %dma_wait3A_25 = tpu.memref_slice %arg4[%dma_wait3A_24] : memref<10158080xf32, #tpu.memory_space<hbm>> -> memref<10158080xf32, #tpu.memory_space<hbm>>
      tpu.wait_indirect_dma semaphore(%arg10 : memref<!tpu.dma_semaphore, #tpu.memory_space<semaphore_mem>>) src(%dma_wait3A_25 : memref<10158080xf32, #tpu.memory_space<hbm>>) dst(%dma_wait3A_22 : memref<128xf32, #tpu.memory_space<vmem>>)
    }
    %scan3A_11 = arith.constant 260 : i32
    "tpu.region"() ({
      %run_scoped3A = tpu.sem_alloc : memref<!tpu.dma_semaphore, #tpu.memory_space<semaphore_mem>>
      %dma_start3A = tpu.memref_slice %arg5[%mul3A_2] : memref<1064960xf32, #tpu.memory_space<hbm>> -> memref<33280xf32, #tpu.memory_space<hbm>>
      %dma_start3A_12 = tpu.memref_slice %arg5[%mul3A_2] : memref<1064960xf32, #tpu.memory_space<hbm>> -> memref<33280xf32, #tpu.memory_space<hbm>>
      tpu.enqueue_dma source(%arg8 : memref<33280xf32, #tpu.memory_space<vmem>>) target(%dma_start3A_12 : memref<33280xf32, #tpu.memory_space<hbm>>) target_semaphore(%run_scoped3A : memref<!tpu.dma_semaphore, #tpu.memory_space<semaphore_mem>>)
      %dma_wait3A = tpu.memref_slice %arg5[%mul3A_2] : memref<1064960xf32, #tpu.memory_space<hbm>> -> memref<33280xf32, #tpu.memory_space<hbm>>
      %dma_wait3A_13 = tpu.memref_slice %arg5[%mul3A_2] : memref<1064960xf32, #tpu.memory_space<hbm>> -> memref<33280xf32, #tpu.memory_space<hbm>>
      tpu.wait_dma2 semaphore(%run_scoped3A : memref<!tpu.dma_semaphore, #tpu.memory_space<semaphore_mem>>) src(%arg8 : memref<33280xf32, #tpu.memory_space<vmem>>) dst(%dma_wait3A_13 : memref<33280xf32, #tpu.memory_space<hbm>>)
      tpu.yield
    }) : () -> ()
    "tpu.region"() ({
      %run_scoped3A = tpu.sem_alloc : memref<!tpu.dma_semaphore, #tpu.memory_space<semaphore_mem>>
      %dma_start3A = tpu.memref_slice %arg6[%mul3A_2] : memref<1064960xf32, #tpu.memory_space<hbm>> -> memref<33280xf32, #tpu.memory_space<hbm>>
      %dma_start3A_12 = tpu.memref_slice %arg6[%mul3A_2] : memref<1064960xf32, #tpu.memory_space<hbm>> -> memref<33280xf32, #tpu.memory_space<hbm>>
      tpu.enqueue_dma source(%arg9 : memref<33280xf32, #tpu.memory_space<vmem>>) target(%dma_start3A_12 : memref<33280xf32, #tpu.memory_space<hbm>>) target_semaphore(%run_scoped3A : memref<!tpu.dma_semaphore, #tpu.memory_space<semaphore_mem>>)
      %dma_wait3A = tpu.memref_slice %arg6[%mul3A_2] : memref<1064960xf32, #tpu.memory_space<hbm>> -> memref<33280xf32, #tpu.memory_space<hbm>>
      %dma_wait3A_13 = tpu.memref_slice %arg6[%mul3A_2] : memref<1064960xf32, #tpu.memory_space<hbm>> -> memref<33280xf32, #tpu.memory_space<hbm>>
      tpu.wait_dma2 semaphore(%run_scoped3A : memref<!tpu.dma_semaphore, #tpu.memory_space<semaphore_mem>>) src(%arg9 : memref<33280xf32, #tpu.memory_space<vmem>>) dst(%dma_wait3A_13 : memref<33280xf32, #tpu.memory_space<hbm>>)
      tpu.yield
    }) : () -> ()
    return
  }
}

module attributes {stable_mosaic.version = 14 : i64} {
  func.func @body(%arg0: i32, %arg1: memref<10x16384xf32, #tpu.memory_space<vmem>>, %arg2: memref<10x16384xf32, #tpu.memory_space<vmem>>, %arg3: memref<163840xf32, #tpu.memory_space<vmem>>, %arg4: memref<163840xf32, #tpu.memory_space<vmem>>) attributes {dimension_semantics = [#tpu.dimension_semantics<arbitrary>], iteration_bounds = array<i64: 62>, scalar_prefetch = 0 : i64, scratch_operands = 0 : i64, tpu.core_type = #tpu.core_type<tc>, window_params = [{transform_indices = @transform_0, window_bounds = array<i64: 10, 16384>}, {transform_indices = @transform_1, window_bounds = array<i64: 10, 16384>}, {transform_indices = @transform_2, window_bounds = array<i64: 163840>}, {transform_indices = @transform_3, window_bounds = array<i64: 163840>}]} {
    %get3A = arith.constant 0 : index
    %get3A_0 = arith.constant 0 : index
    %get3A_1 = vector.load %arg1[%get3A, %get3A_0] : memref<10x16384xf32, #tpu.memory_space<vmem>>, vector<10x16384xf32>
    %reshape3A = vector.shape_cast %get3A_1 : vector<10x16384xf32> to vector<163840xf32>
    %swap3A = arith.constant 0 : index
    %swap3A_2 = vector.load %arg3[%swap3A] : memref<163840xf32, #tpu.memory_space<vmem>>, vector<163840xf32>
    tpu.vector_store %arg3[%swap3A], %reshape3A {strides = array<i32>} : memref<163840xf32, #tpu.memory_space<vmem>>, vector<163840xf32>,
    %get3A_3 = arith.constant 0 : index
    %get3A_4 = arith.constant 0 : index
    %get3A_5 = vector.load %arg2[%get3A_3, %get3A_4] : memref<10x16384xf32, #tpu.memory_space<vmem>>, vector<10x16384xf32>
    %reshape3A_6 = vector.shape_cast %get3A_5 : vector<10x16384xf32> to vector<163840xf32>
    %swap3A_7 = arith.constant 0 : index
    %swap3A_8 = vector.load %arg4[%swap3A_7] : memref<163840xf32, #tpu.memory_space<vmem>>, vector<163840xf32>
    tpu.vector_store %arg4[%swap3A_7], %reshape3A_6 {strides = array<i32>} : memref<163840xf32, #tpu.memory_space<vmem>>, vector<163840xf32>,
    return
  }
  func.func @transform_0(%arg0: i32) -> (i32, i32) {
    %c0_i32 = arith.constant 0 : i32
    %c0_i32_0 = arith.constant 0 : i32
    return %c0_i32, %arg0 : i32, i32
  }
  func.func @transform_1(%arg0: i32) -> (i32, i32) {
    %c0_i32 = arith.constant 0 : i32
    %c0_i32_0 = arith.constant 0 : i32
    return %c0_i32, %arg0 : i32, i32
  }
  func.func @transform_2(%arg0: i32) -> i32 {
    %c0_i32 = arith.constant 0 : i32
    return %arg0 : i32
  }
  func.func @transform_3(%arg0: i32) -> i32 {
    %c0_i32 = arith.constant 0 : i32
    return %arg0 : i32
  }
}

module attributes {stable_mosaic.version = 14 : i64} {
  func.func @body(%arg0: memref<4096x260xf32, #tpu.memory_space<vmem>>, %arg1: memref<4096x260xf32, #tpu.memory_space<vmem>>, %arg2: memref<260x64xf32, #tpu.memory_space<vmem>>, %arg3: memref<64xf32, #tpu.memory_space<vmem>>, %arg4: memref<64x32xf32, #tpu.memory_space<vmem>>, %arg5: memref<32xf32, #tpu.memory_space<vmem>>, %arg6: memref<32x16xf32, #tpu.memory_space<vmem>>, %arg7: memref<16xf32, #tpu.memory_space<vmem>>, %arg8: memref<16x1xf32, #tpu.memory_space<vmem>>, %arg9: memref<1xf32, #tpu.memory_space<vmem>>, %arg10: memref<260x1024xf32, #tpu.memory_space<vmem>>, %arg11: memref<1024xf32, #tpu.memory_space<vmem>>, %arg12: memref<1024x512xf32, #tpu.memory_space<vmem>>, %arg13: memref<512xf32, #tpu.memory_space<vmem>>, %arg14: memref<512x256xf32, #tpu.memory_space<vmem>>, %arg15: memref<256xf32, #tpu.memory_space<vmem>>, %arg16: memref<256x128xf32, #tpu.memory_space<vmem>>, %arg17: memref<128xf32, #tpu.memory_space<vmem>>, %arg18: memref<128x1xf32, #tpu.memory_space<vmem>>, %arg19: memref<1xf32, #tpu.memory_space<vmem>>, %arg20: memref<4096x1xf32, #tpu.memory_space<vmem>>, %arg21: memref<4096x1xf32, #tpu.memory_space<vmem>>) attributes {dimension_semantics = [], scalar_prefetch = 0 : i64, scratch_operands = 0 : i64, tpu.core_type = #tpu.core_type<tc>} {
    %get3A = arith.constant 0 : index
    %get3A_0 = arith.constant 0 : index
    %get3A_1 = vector.load %arg1[%get3A, %get3A_0] : memref<4096x260xf32, #tpu.memory_space<vmem>>, vector<4096x260xf32>
    %reduce_sum3A = arith.constant dense<0.000000e+00> : vector<260xf32>
    %reduce_sum3A_2 = vector.multi_reduction <add>, %get3A_1, %reduce_sum3A [0] : vector<4096x260xf32> to vector<260xf32>
    %broadcast_in_dim3A = vector.shape_cast %reduce_sum3A_2 : vector<260xf32> to vector<1x260xf32>
    %div3A = arith.constant 4.096000e+03 : f32
    %div3A_3 = vector.broadcast %div3A : f32 to vector<1x260xf32>
    %div3A_4 = arith.divf %broadcast_in_dim3A, %div3A_3 : vector<1x260xf32>
    %jit3A = arith.constant 0 : i32
    %reduce_sum3A_5 = arith.constant dense<0.000000e+00> : vector<260xf32>
    %reduce_sum3A_6 = vector.multi_reduction <add>, %get3A_1, %reduce_sum3A_5 [0] : vector<4096x260xf32> to vector<260xf32>
    %broadcast_in_dim3A_7 = vector.shape_cast %reduce_sum3A_6 : vector<260xf32> to vector<1x260xf32>
    %div3A_8 = arith.constant 4.096000e+03 : f32
    %div3A_9 = vector.broadcast %div3A_8 : f32 to vector<1x260xf32>
    %div3A_10 = arith.divf %broadcast_in_dim3A_7, %div3A_9 : vector<1x260xf32>
    %sub3A = vector.broadcast %div3A_10 : vector<1x260xf32> to vector<4096x260xf32>
    %sub3A_11 = arith.subf %get3A_1, %sub3A : vector<4096x260xf32>
    %square3A = arith.mulf %sub3A_11, %sub3A_11 : vector<4096x260xf32>
    %convert_element_type3A = arith.sitofp %jit3A : i32 to f32
    %sub3A_12 = arith.constant 4.096000e+03 : f32
    %sub3A_13 = arith.subf %sub3A_12, %convert_element_type3A : f32
    %reduce_sum3A_14 = arith.constant dense<0.000000e+00> : vector<260xf32>
    %reduce_sum3A_15 = vector.multi_reduction <add>, %square3A, %reduce_sum3A_14 [0] : vector<4096x260xf32> to vector<260xf32>
    %broadcast_in_dim3A_16 = vector.shape_cast %reduce_sum3A_15 : vector<260xf32> to vector<1x260xf32>
    %div3A_17 = vector.broadcast %sub3A_13 : f32 to vector<1x260xf32>
    %div3A_18 = arith.divf %broadcast_in_dim3A_16, %div3A_17 : vector<1x260xf32>
    %gt3A = arith.constant 0.000000e+00 : f32
    %gt3A_19 = arith.cmpf ogt, %sub3A_13, %gt3A : f32
    %jit3A_20 = arith.constant 0x7FC00000 : f32
    %broadcast_in_dim3A_21 = vector.broadcast %jit3A_20 : f32 to vector<1x260xf32>
    %select_n3A = arith.select %gt3A_19, %div3A_18, %broadcast_in_dim3A_21 : vector<1x260xf32>
    %sub3A_22 = vector.broadcast %div3A_4 : vector<1x260xf32> to vector<4096x260xf32>
    %sub3A_23 = arith.subf %get3A_1, %sub3A_22 : vector<4096x260xf32>
    %add3A = arith.constant 9.99999974E-6 : f32
    %add3A_24 = vector.broadcast %add3A : f32 to vector<1x260xf32>
    %add3A_25 = arith.addf %select_n3A, %add3A_24 : vector<1x260xf32>
    %sqrt3A = math.sqrt %add3A_25 : vector<1x260xf32>
    %div3A_26 = vector.broadcast %sqrt3A : vector<1x260xf32> to vector<4096x260xf32>
    %div3A_27 = arith.divf %sub3A_23, %div3A_26 : vector<4096x260xf32>
    %get3A_28 = arith.constant 0 : index
    %get3A_29 = arith.constant 0 : index
    %get3A_30 = vector.load %arg10[%get3A_28, %get3A_29] : memref<260x1024xf32, #tpu.memory_space<vmem>>, vector<260x1024xf32>
    %dot_general3A = arith.constant dense<0.000000e+00> : vector<4096x1024xf32>
    %dot_general3A_31 = tpu.matmul %div3A_27, %get3A_30, %dot_general3A {dimension_numbers = #tpu.dot_dimension_numbers<[1], [0], [0], [1], [0, 0, 1, 1], [], []>, transpose_lhs_hint = false} : vector<4096x260xf32>, vector<260x1024xf32>, vector<4096x1024xf32> -> vector<4096x1024xf32>
    %get3A_32 = arith.constant 0 : index
    %get3A_33 = vector.load %arg11[%get3A_32] : memref<1024xf32, #tpu.memory_space<vmem>>, vector<1024xf32>
    %broadcast_in_dim3A_34 = vector.shape_cast %get3A_33 : vector<1024xf32> to vector<1x1024xf32>
    %add3A_35 = vector.broadcast %broadcast_in_dim3A_34 : vector<1x1024xf32> to vector<4096x1024xf32>
    %add3A_36 = arith.addf %dot_general3A_31, %add3A_35 : vector<4096x1024xf32>
    %max3A = arith.constant 0.000000e+00 : f32
    %max3A_37 = vector.broadcast %max3A : f32 to vector<4096x1024xf32>
    %max3A_38 = arith.maximumf %add3A_36, %max3A_37 : vector<4096x1024xf32>
    %get3A_39 = arith.constant 0 : index
    %get3A_40 = arith.constant 0 : index
    %get3A_41 = vector.load %arg12[%get3A_39, %get3A_40] : memref<1024x512xf32, #tpu.memory_space<vmem>>, vector<1024x512xf32>
    %dot_general3A_42 = arith.constant dense<0.000000e+00> : vector<4096x512xf32>
    %dot_general3A_43 = tpu.matmul %max3A_38, %get3A_41, %dot_general3A_42 {dimension_numbers = #tpu.dot_dimension_numbers<[1], [0], [0], [1], [0, 0, 1, 1], [], []>, transpose_lhs_hint = false} : vector<4096x1024xf32>, vector<1024x512xf32>, vector<4096x512xf32> -> vector<4096x512xf32>
    %get3A_44 = arith.constant 0 : index
    %get3A_45 = vector.load %arg13[%get3A_44] : memref<512xf32, #tpu.memory_space<vmem>>, vector<512xf32>
    %broadcast_in_dim3A_46 = vector.shape_cast %get3A_45 : vector<512xf32> to vector<1x512xf32>
    %add3A_47 = vector.broadcast %broadcast_in_dim3A_46 : vector<1x512xf32> to vector<4096x512xf32>
    %add3A_48 = arith.addf %dot_general3A_43, %add3A_47 : vector<4096x512xf32>
    %max3A_49 = arith.constant 0.000000e+00 : f32
    %max3A_50 = vector.broadcast %max3A_49 : f32 to vector<4096x512xf32>
    %max3A_51 = arith.maximumf %add3A_48, %max3A_50 : vector<4096x512xf32>
    %get3A_52 = arith.constant 0 : index
    %get3A_53 = arith.constant 0 : index
    %get3A_54 = vector.load %arg14[%get3A_52, %get3A_53] : memref<512x256xf32, #tpu.memory_space<vmem>>, vector<512x256xf32>
    %dot_general3A_55 = arith.constant dense<0.000000e+00> : vector<4096x256xf32>
    %dot_general3A_56 = tpu.matmul %max3A_51, %get3A_54, %dot_general3A_55 {dimension_numbers = #tpu.dot_dimension_numbers<[1], [0], [0], [1], [0, 0, 1, 1], [], []>, transpose_lhs_hint = false} : vector<4096x512xf32>, vector<512x256xf32>, vector<4096x256xf32> -> vector<4096x256xf32>
    %get3A_57 = arith.constant 0 : index
    %get3A_58 = vector.load %arg15[%get3A_57] : memref<256xf32, #tpu.memory_space<vmem>>, vector<256xf32>
    %broadcast_in_dim3A_59 = vector.shape_cast %get3A_58 : vector<256xf32> to vector<1x256xf32>
    %add3A_60 = vector.broadcast %broadcast_in_dim3A_59 : vector<1x256xf32> to vector<4096x256xf32>
    %add3A_61 = arith.addf %dot_general3A_56, %add3A_60 : vector<4096x256xf32>
    %max3A_62 = arith.constant 0.000000e+00 : f32
    %max3A_63 = vector.broadcast %max3A_62 : f32 to vector<4096x256xf32>
    %max3A_64 = arith.maximumf %add3A_61, %max3A_63 : vector<4096x256xf32>
    %get3A_65 = arith.constant 0 : index
    %get3A_66 = arith.constant 0 : index
    %get3A_67 = vector.load %arg16[%get3A_65, %get3A_66] : memref<256x128xf32, #tpu.memory_space<vmem>>, vector<256x128xf32>
    %dot_general3A_68 = arith.constant dense<0.000000e+00> : vector<4096x128xf32>
    %dot_general3A_69 = tpu.matmul %max3A_64, %get3A_67, %dot_general3A_68 {dimension_numbers = #tpu.dot_dimension_numbers<[1], [0], [0], [1], [0, 0, 1, 1], [], []>, transpose_lhs_hint = false} : vector<4096x256xf32>, vector<256x128xf32>, vector<4096x128xf32> -> vector<4096x128xf32>
    %get3A_70 = arith.constant 0 : index
    %get3A_71 = vector.load %arg17[%get3A_70] : memref<128xf32, #tpu.memory_space<vmem>>, vector<128xf32>
    %broadcast_in_dim3A_72 = vector.shape_cast %get3A_71 : vector<128xf32> to vector<1x128xf32>
    %add3A_73 = vector.broadcast %broadcast_in_dim3A_72 : vector<1x128xf32> to vector<4096x128xf32>
    %add3A_74 = arith.addf %dot_general3A_69, %add3A_73 : vector<4096x128xf32>
    %max3A_75 = arith.constant 0.000000e+00 : f32
    %max3A_76 = vector.broadcast %max3A_75 : f32 to vector<4096x128xf32>
    %max3A_77 = arith.maximumf %add3A_74, %max3A_76 : vector<4096x128xf32>
    %get3A_78 = arith.constant 0 : index
    %get3A_79 = arith.constant 0 : index
    %get3A_80 = vector.load %arg18[%get3A_78, %get3A_79] : memref<128x1xf32, #tpu.memory_space<vmem>>, vector<128x1xf32>
    %dot_general3A_81 = arith.constant dense<0.000000e+00> : vector<4096x1xf32>
    %dot_general3A_82 = tpu.matmul %max3A_77, %get3A_80, %dot_general3A_81 {dimension_numbers = #tpu.dot_dimension_numbers<[1], [0], [0], [1], [0, 0, 1, 1], [], []>, transpose_lhs_hint = false} : vector<4096x128xf32>, vector<128x1xf32>, vector<4096x1xf32> -> vector<4096x1xf32>
    %get3A_83 = arith.constant 0 : index
    %get3A_84 = vector.load %arg19[%get3A_83] : memref<1xf32, #tpu.memory_space<vmem>>, vector<1xf32>
    %broadcast_in_dim3A_85 = vector.shape_cast %get3A_84 : vector<1xf32> to vector<1x1xf32>
    %add3A_86 = vector.broadcast %broadcast_in_dim3A_85 : vector<1x1xf32> to vector<4096x1xf32>
    %add3A_87 = arith.addf %dot_general3A_82, %add3A_86 : vector<4096x1xf32>
    %logistic3A = arith.negf %add3A_87 : vector<4096x1xf32>
    %logistic3A_88 = math.exp %logistic3A : vector<4096x1xf32>
    %logistic3A_89 = arith.constant 1.000000e+00 : f32
    %logistic3A_90 = vector.broadcast %logistic3A_89 : f32 to vector<4096x1xf32>
    %logistic3A_91 = arith.addf %logistic3A_90, %logistic3A_88 : vector<4096x1xf32>
    %logistic3A_92 = arith.divf %logistic3A_90, %logistic3A_91 : vector<4096x1xf32>
    %swap3A = arith.constant 0 : index
    %swap3A_93 = arith.constant 0 : index
    %swap3A_94 = vector.load %arg21[%swap3A, %swap3A_93] : memref<4096x1xf32, #tpu.memory_space<vmem>>, vector<4096x1xf32>
    tpu.vector_store %arg21[%swap3A, %swap3A_93], %logistic3A_92 {strides = array<i32>} : memref<4096x1xf32, #tpu.memory_space<vmem>>, vector<4096x1xf32>,
    %get3A_95 = arith.constant 0 : index
    %get3A_96 = arith.constant 0 : index
    %get3A_97 = vector.load %arg0[%get3A_95, %get3A_96] : memref<4096x260xf32, #tpu.memory_space<vmem>>, vector<4096x260xf32>
    %reduce_sum3A_98 = arith.constant dense<0.000000e+00> : vector<260xf32>
    %reduce_sum3A_99 = vector.multi_reduction <add>, %get3A_97, %reduce_sum3A_98 [0] : vector<4096x260xf32> to vector<260xf32>
    %broadcast_in_dim3A_100 = vector.shape_cast %reduce_sum3A_99 : vector<260xf32> to vector<1x260xf32>
    %div3A_101 = arith.constant 4.096000e+03 : f32
    %div3A_102 = vector.broadcast %div3A_101 : f32 to vector<1x260xf32>
    %div3A_103 = arith.divf %broadcast_in_dim3A_100, %div3A_102 : vector<1x260xf32>
    %jit3A_104 = arith.constant 0 : i32
    %reduce_sum3A_105 = arith.constant dense<0.000000e+00> : vector<260xf32>
    %reduce_sum3A_106 = vector.multi_reduction <add>, %get3A_97, %reduce_sum3A_105 [0] : vector<4096x260xf32> to vector<260xf32>
    %broadcast_in_dim3A_107 = vector.shape_cast %reduce_sum3A_106 : vector<260xf32> to vector<1x260xf32>
    %div3A_108 = arith.constant 4.096000e+03 : f32
    %div3A_109 = vector.broadcast %div3A_108 : f32 to vector<1x260xf32>
    %div3A_110 = arith.divf %broadcast_in_dim3A_107, %div3A_109 : vector<1x260xf32>
    %sub3A_111 = vector.broadcast %div3A_110 : vector<1x260xf32> to vector<4096x260xf32>
    %sub3A_112 = arith.subf %get3A_97, %sub3A_111 : vector<4096x260xf32>
    %square3A_113 = arith.mulf %sub3A_112, %sub3A_112 : vector<4096x260xf32>
    %convert_element_type3A_114 = arith.sitofp %jit3A_104 : i32 to f32
    %sub3A_115 = arith.constant 4.096000e+03 : f32
    %sub3A_116 = arith.subf %sub3A_115, %convert_element_type3A_114 : f32
    %reduce_sum3A_117 = arith.constant dense<0.000000e+00> : vector<260xf32>
    %reduce_sum3A_118 = vector.multi_reduction <add>, %square3A_113, %reduce_sum3A_117 [0] : vector<4096x260xf32> to vector<260xf32>
    %broadcast_in_dim3A_119 = vector.shape_cast %reduce_sum3A_118 : vector<260xf32> to vector<1x260xf32>
    %div3A_120 = vector.broadcast %sub3A_116 : f32 to vector<1x260xf32>
    %div3A_121 = arith.divf %broadcast_in_dim3A_119, %div3A_120 : vector<1x260xf32>
    %gt3A_122 = arith.constant 0.000000e+00 : f32
    %gt3A_123 = arith.cmpf ogt, %sub3A_116, %gt3A_122 : f32
    %jit3A_124 = arith.constant 0x7FC00000 : f32
    %broadcast_in_dim3A_125 = vector.broadcast %jit3A_124 : f32 to vector<1x260xf32>
    %select_n3A_126 = arith.select %gt3A_123, %div3A_121, %broadcast_in_dim3A_125 : vector<1x260xf32>
    %sub3A_127 = vector.broadcast %div3A_103 : vector<1x260xf32> to vector<4096x260xf32>
    %sub3A_128 = arith.subf %get3A_97, %sub3A_127 : vector<4096x260xf32>
    %add3A_129 = arith.constant 9.99999974E-6 : f32
    %add3A_130 = vector.broadcast %add3A_129 : f32 to vector<1x260xf32>
    %add3A_131 = arith.addf %select_n3A_126, %add3A_130 : vector<1x260xf32>
    %sqrt3A_132 = math.sqrt %add3A_131 : vector<1x260xf32>
    %div3A_133 = vector.broadcast %sqrt3A_132 : vector<1x260xf32> to vector<4096x260xf32>
    %div3A_134 = arith.divf %sub3A_128, %div3A_133 : vector<4096x260xf32>
    %get3A_135 = arith.constant 0 : index
    %get3A_136 = arith.constant 0 : index
    %get3A_137 = vector.load %arg2[%get3A_135, %get3A_136] : memref<260x64xf32, #tpu.memory_space<vmem>>, vector<260x64xf32>
    %dot_general3A_138 = arith.constant dense<0.000000e+00> : vector<4096x64xf32>
    %dot_general3A_139 = tpu.matmul %div3A_134, %get3A_137, %dot_general3A_138 {dimension_numbers = #tpu.dot_dimension_numbers<[1], [0], [0], [1], [0, 0, 1, 1], [], []>, transpose_lhs_hint = false} : vector<4096x260xf32>, vector<260x64xf32>, vector<4096x64xf32> -> vector<4096x64xf32>
    %get3A_140 = arith.constant 0 : index
    %get3A_141 = vector.load %arg3[%get3A_140] : memref<64xf32, #tpu.memory_space<vmem>>, vector<64xf32>
    %broadcast_in_dim3A_142 = vector.shape_cast %get3A_141 : vector<64xf32> to vector<1x64xf32>
    %add3A_143 = vector.broadcast %broadcast_in_dim3A_142 : vector<1x64xf32> to vector<4096x64xf32>
    %add3A_144 = arith.addf %dot_general3A_139, %add3A_143 : vector<4096x64xf32>
    %max3A_145 = arith.constant 0.000000e+00 : f32
    %max3A_146 = vector.broadcast %max3A_145 : f32 to vector<4096x64xf32>
    %max3A_147 = arith.maximumf %add3A_144, %max3A_146 : vector<4096x64xf32>
    %get3A_148 = arith.constant 0 : index
    %get3A_149 = arith.constant 0 : index
    %get3A_150 = vector.load %arg4[%get3A_148, %get3A_149] : memref<64x32xf32, #tpu.memory_space<vmem>>, vector<64x32xf32>
    %dot_general3A_151 = arith.constant dense<0.000000e+00> : vector<4096x32xf32>
    %dot_general3A_152 = tpu.matmul %max3A_147, %get3A_150, %dot_general3A_151 {dimension_numbers = #tpu.dot_dimension_numbers<[1], [0], [0], [1], [0, 0, 1, 1], [], []>, transpose_lhs_hint = false} : vector<4096x64xf32>, vector<64x32xf32>, vector<4096x32xf32> -> vector<4096x32xf32>
    %get3A_153 = arith.constant 0 : index
    %get3A_154 = vector.load %arg5[%get3A_153] : memref<32xf32, #tpu.memory_space<vmem>>, vector<32xf32>
    %broadcast_in_dim3A_155 = vector.shape_cast %get3A_154 : vector<32xf32> to vector<1x32xf32>
    %add3A_156 = vector.broadcast %broadcast_in_dim3A_155 : vector<1x32xf32> to vector<4096x32xf32>
    %add3A_157 = arith.addf %dot_general3A_152, %add3A_156 : vector<4096x32xf32>
    %max3A_158 = arith.constant 0.000000e+00 : f32
    %max3A_159 = vector.broadcast %max3A_158 : f32 to vector<4096x32xf32>
    %max3A_160 = arith.maximumf %add3A_157, %max3A_159 : vector<4096x32xf32>
    %get3A_161 = arith.constant 0 : index
    %get3A_162 = arith.constant 0 : index
    %get3A_163 = vector.load %arg6[%get3A_161, %get3A_162] : memref<32x16xf32, #tpu.memory_space<vmem>>, vector<32x16xf32>
    %dot_general3A_164 = arith.constant dense<0.000000e+00> : vector<4096x16xf32>
    %dot_general3A_165 = tpu.matmul %max3A_160, %get3A_163, %dot_general3A_164 {dimension_numbers = #tpu.dot_dimension_numbers<[1], [0], [0], [1], [0, 0, 1, 1], [], []>, transpose_lhs_hint = false} : vector<4096x32xf32>, vector<32x16xf32>, vector<4096x16xf32> -> vector<4096x16xf32>
    %get3A_166 = arith.constant 0 : index
    %get3A_167 = vector.load %arg7[%get3A_166] : memref<16xf32, #tpu.memory_space<vmem>>, vector<16xf32>
    %broadcast_in_dim3A_168 = vector.shape_cast %get3A_167 : vector<16xf32> to vector<1x16xf32>
    %add3A_169 = vector.broadcast %broadcast_in_dim3A_168 : vector<1x16xf32> to vector<4096x16xf32>
    %add3A_170 = arith.addf %dot_general3A_165, %add3A_169 : vector<4096x16xf32>
    %max3A_171 = arith.constant 0.000000e+00 : f32
    %max3A_172 = vector.broadcast %max3A_171 : f32 to vector<4096x16xf32>
    %max3A_173 = arith.maximumf %add3A_170, %max3A_172 : vector<4096x16xf32>
    %get3A_174 = arith.constant 0 : index
    %get3A_175 = arith.constant 0 : index
    %get3A_176 = vector.load %arg8[%get3A_174, %get3A_175] : memref<16x1xf32, #tpu.memory_space<vmem>>, vector<16x1xf32>
    %dot_general3A_177 = arith.constant dense<0.000000e+00> : vector<4096x1xf32>
    %dot_general3A_178 = tpu.matmul %max3A_173, %get3A_176, %dot_general3A_177 {dimension_numbers = #tpu.dot_dimension_numbers<[1], [0], [0], [1], [0, 0, 1, 1], [], []>, transpose_lhs_hint = false} : vector<4096x16xf32>, vector<16x1xf32>, vector<4096x1xf32> -> vector<4096x1xf32>
    %get3A_179 = arith.constant 0 : index
    %get3A_180 = vector.load %arg9[%get3A_179] : memref<1xf32, #tpu.memory_space<vmem>>, vector<1xf32>
    %broadcast_in_dim3A_181 = vector.shape_cast %get3A_180 : vector<1xf32> to vector<1x1xf32>
    %add3A_182 = vector.broadcast %broadcast_in_dim3A_181 : vector<1x1xf32> to vector<4096x1xf32>
    %add3A_183 = arith.addf %dot_general3A_178, %add3A_182 : vector<4096x1xf32>
    %logistic3A_184 = arith.negf %add3A_183 : vector<4096x1xf32>
    %logistic3A_185 = math.exp %logistic3A_184 : vector<4096x1xf32>
    %logistic3A_186 = arith.constant 1.000000e+00 : f32
    %logistic3A_187 = vector.broadcast %logistic3A_186 : f32 to vector<4096x1xf32>
    %logistic3A_188 = arith.addf %logistic3A_187, %logistic3A_185 : vector<4096x1xf32>
    %logistic3A_189 = arith.divf %logistic3A_187, %logistic3A_188 : vector<4096x1xf32>
    %swap3A_190 = arith.constant 0 : index
    %swap3A_191 = arith.constant 0 : index
    %swap3A_192 = vector.load %arg20[%swap3A_190, %swap3A_191] : memref<4096x1xf32, #tpu.memory_space<vmem>>, vector<4096x1xf32>
    tpu.vector_store %arg20[%swap3A_190, %swap3A_191], %logistic3A_189 {strides = array<i32>} : memref<4096x1xf32, #tpu.memory_space<vmem>>, vector<4096x1xf32>,
    return
  }
}

</mosaic_0001>

<sc_bundles>
// kernel: kernel.5.cloned.1.call-start
scs
__scs_entry_jumppad:
0x0: {  	(pc) =	sbr.rel $0x88, $3  }
0x1: {  	(tag) =	ssettag $0x0;
	lr =	simm.s32 $0x1  }
0x2: {  	[smem:$0x3F8C] =	sst lr;
	_ =	strace $0xD0000000  }
0x3: {  	_ = 	snop  }
0x4: {  	_ = 	snop  }
0x5: {  	_ = 	snop  }
0x6: {  	_ = 	snop  }
0x7: {  	_ = 	snop  }
__scs_overlays_trampoline_lowered:
0x8: {  	[smem:$0x3F9B] =	sst s0  }
0x9: {  	[smem:$0x3F9C] =	sst s1  }
0xa: {  	[smem:$0x3F9D] =	sst s2  }
0xb: {  	[smem:$0x3F9E] =	sst s3  }
0xc: {  	[smem:$0x3F9F] =	sst s4  }
0xd: {  	[smem:$0x3FA0] =	sst s5  }
0xe: {  	[smem:$0x3FA1] =	sst s6  }
0xf: {  	[smem:$0x3FA2] =	sst s7  }
0x10: {  	[smem:$0x3FA3] =	sst s8  }
0x11: {  	[smem:$0x3FA4] =	sst s9;
	s0 =	simm.s32 @!p0 $0x0  }
0x12: {  	s1 =	sld [smem:$0x3F8A];
	s0 =	simm.s32 @p0 $0x1  }
0x13: {  	[smem:$0x3FA5] =	sst s0;
	s0 =	simm.s32 @!p1 $0x0  }
0x14: {  	s2 =	sld [smem:$0x3F89];
	s0 =	simm.s32 @p1 $0x1  }
0x15: {  	[smem:$0x3FA6] =	sst s0;
	s0 =	simm.s32 @!p2 $0x0  }
0x16: {  	s3 =	sld [smem:$0x3FDB];
	s0 =	simm.s32 @p2 $0x1  }
0x17: {  	s4 =	simm.s32 $0x1BF5;
	[smem:$0x3FA8] =	sst s0  }
0x18: {  	s0 =	sld [smem:$0x3F8B];
	_ =	swait.ge [sflag:s4], $0x0  }
0x19: {  	s7 =	sld [smem:$0x3F8C]  }
0x1a: {  	s8 =	sadd.s32 $0xFFFFE003, lr  }
0x1b: {  	s9 =	sadd.s32 $0xFFFFFEF7, lr;
	s5 =	simm.s32 $0xFFFFFFFF;
	p2 =	slt.u32 s8, $0xFFFFF086  }
0x1c: {  	p1 =	slt.u32 s9, $0xF7A;
	s5 =	simm.s32 @!p2 $0x0  }
0x1d: {  	s5 =	simm.s32 @p1 $0x1;
	p0 =	seq.s32 s7, s2  }
0x1e: {  	s7 =	smul.u32 @!p0 $0xF7A, s2;
	p2 =	seq.s32 @!p0 s5, $0x0  }
0x1f: {  	s9 =	smul.u32 $0xF7A, s1;
	s8 =	simm.s32 @!p0 $0x1BF5;
	p2 =	por !p2, p0  }
0x20: {  	[sflag:s8] =	ssyncset.s32 @!p0 $0xFFFFF086;
	s6 =	sadd.s32 @!p0 s3, s7;
	s7 =	simm.s32 @!p0 $0x108  }
0x21: {  	s3 =	sadd.s32 s3, s9;
	s6 =	sadd.s32 @!p0 $0x88, s6;
	s7 =	simm.s32 @p2 $0x1082  }
0x22: {  	[simem:s7], [sflag:s8] =	dma.local @!p0 [hbm:s6], $0xF7A  }
0x23: {  	s9 =	sor.u32 $0xD0000000, s2;
	s6 =	simm.s32 $0x108;
	_ =	swait.ge @!p0 [sflag:s8], $0x0  }
0x24: {  	s3 =	sadd.s32 $0x88, s3;
	s6 =	simm.s32 @!p1 $0x1082;
	[sflag:s4] =	ssyncset.s32 $0xFFFFF086  }
0x25: {  	[simem:s6], [sflag:s4] =	dma.local [hbm:s3], $0xF7A  }
0x26: {  	[smem:$0x3F8C] =	sst s1;
	(tag) =	ssettag s2;
	_ =	strace s9  }
0x27: {  	s1 =	sld [smem:$0x3F9C]  }
0x28: {  	s2 =	sld [smem:$0x3F9D]  }
0x29: {  	s4 =	sld [smem:$0x3F9F]  }
0x2a: {  	p0 =	seq.s32 s5, $0x0;
	s5 =	sld [smem:$0x3FA0]  }
0x2b: {  	s6 =	sld [smem:$0x3FA1]  }
0x2c: {  	s7 =	sld [smem:$0x3FA2]  }
0x2d: {  	s3 =	simm.s32 $0x108;
	s8 =	sld [smem:$0x3FA3]  }
0x2e: {  	s3 =	simm.s32 @!p0 $0x1082;
	s9 =	sld [smem:$0x3FA4]  }
0x2f: {  	lr =	sadd.s32 s0, s3;
	s0 =	sld [smem:$0x3F9B]  }
0x30: {  	s3 =	sld [smem:$0x3F9E]  }
0x31: {  	[smem:$0x3FA7] =	sst s10  }
0x32: {  	s10 =	sld [smem:$0x3FA5];
	_ =	sdelay $0x3  }
0x33: {  	p0 =	seq.s32 s10, $0x1;
	s10 =	sld [smem:$0x3FA7];
	_ =	sdelay $0x3  }
0x34: {  	[smem:$0x3FA7] =	sst s10  }
0x35: {  	s10 =	sld [smem:$0x3FA6];
	_ =	sdelay $0x3  }
0x36: {  	p1 =	seq.s32 s10, $0x1;
	s10 =	sld [smem:$0x3FA7];
	_ =	sdelay $0x3  }
0x37: {  	[smem:$0x3FA7] =	sst s10  }
0x38: {  	s10 =	sld [smem:$0x3FA8]  }
0x39: {  	_ = 	snop;
	(pc) =	sbr.ind lr, $3  }
0x3a: {  	_ = 	snop  }
0x3b: {  	_ = 	snop  }
0x3c: {  	p2 =	seq.s32 s10, $0x1;
	s10 =	sld [smem:$0x3FA7]  }
0x3d: {  	_ =	shalt  }
0x3e: {  	_ =	shalt  }
0x3f: {  	_ =	shalt  }
0x40: {  	_ =	shalt  }
0x41: {  	_ =	shalt  }
0x42: {  	_ =	shalt  }
0x43: {  	_ =	shalt  }
0x44: {  	_ =	shalt  }
0x45: {  	_ =	shalt  }
0x46: {  	_ =	shalt  }
0x47: {  	_ =	shalt  }
0x48: {  	_ =	shalt  }
0x49: {  	_ =	shalt  }
0x4a: {  	_ =	shalt  }
0x4b: {  	_ =	shalt  }
0x4c: {  	_ =	shalt  }
0x4d: {  	_ =	shalt  }
0x4e: {  	_ =	shalt  }
0x4f: {  	_ =	shalt  }
0x50: {  	_ =	shalt  }
0x51: {  	_ =	shalt  }
0x52: {  	_ =	shalt  }
0x53: {  	_ =	shalt  }
0x54: {  	_ =	shalt  }
0x55: {  	_ =	shalt  }
0x56: {  	_ =	shalt  }
0x57: {  	_ =	shalt  }
0x58: {  	_ =	shalt  }
0x59: {  	_ =	shalt  }
0x5a: {  	_ =	shalt  }
0x5b: {  	_ =	shalt  }
0x5c: {  	_ =	shalt  }
0x5d: {  	_ =	shalt  }
0x5e: {  	_ =	shalt  }
0x5f: {  	_ =	shalt  }
0x60: {  	_ =	shalt  }
0x61: {  	_ =	shalt  }
0x62: {  	_ =	shalt  }
0x63: {  	_ =	shalt  }
0x64: {  	_ =	shalt  }
0x65: {  	_ =	shalt  }
0x66: {  	_ =	shalt  }
0x67: {  	_ =	shalt  }
0x68: {  	_ =	shalt  }
0x69: {  	_ =	shalt  }
0x6a: {  	_ =	shalt  }
0x6b: {  	_ =	shalt  }
0x6c: {  	_ =	shalt  }
0x6d: {  	_ =	shalt  }
0x6e: {  	_ =	shalt  }
0x6f: {  	_ =	shalt  }
0x70: {  	_ =	shalt  }
0x71: {  	_ =	shalt  }
0x72: {  	_ =	shalt  }
0x73: {  	_ =	shalt  }
0x74: {  	_ =	shalt  }
0x75: {  	_ =	shalt  }
0x76: {  	_ =	shalt  }
0x77: {  	_ =	shalt  }
0x78: {  	_ =	shalt  }
0x79: {  	_ =	shalt  }
0x7a: {  	_ =	shalt  }
0x7b: {  	_ =	shalt  }
0x7c: {  	_ =	shalt  }
0x7d: {  	_ =	shalt  }
0x7e: {  	_ =	shalt  }
0x7f: {  	_ =	shalt  }
0x80: {  	_ =	shalt  }
0x81: {  	_ =	shalt  }
0x82: {  	_ =	shalt  }
0x83: {  	_ =	shalt  }
0x84: {  	_ =	shalt  }
0x85: {  	_ =	shalt  }
0x86: {  	_ =	shalt  }
0x87: {  	_ =	shalt  }
.Lfunc_end0:
.L_simem_size_0:
called_computation_lowered:
.L_overlay_start_0:
0x88: {  	s2 =	sld [smem:$0x3FD9]  }
0x89: {  	s3 =	sld [smem:$0x3FFE];
	_ =	sdelay $0x1  }
0x8a: {  	s1 =	srdreg.scid  }
0x8b: {  	s0 =	sand.u32 $0x1, s1  }
0x8c: {  	s16 =	sshll.u32 s0, $0xA;
	s2 =	sadd.s32 s3, s2  }
0x8d: {  	s2 =	sadd.s32 s2, s16  }
0x8e: {  	[smem:$0x3FB3] =	sst s2  }
0x8f: {  	_ = 	snop  }
0x90: {  	(tm) =	ssettm $0x1  }
0x91: {  	s17 =	sld [smem:$0x3FFB];
	_ =	sdelay $0x3  }
0x92: {  	_ =	strace s17  }
0x93: {  	s2 =	sld [smem:$0x3FFC];
	_ =	sdelay $0x3  }
0x94: {  	_ =	strace s2  }
0x95: {  	s2 =	sld [smem:$0x3FFD];
	_ =	sdelay $0x3  }
0x96: {  	_ =	strace s2  }
0x97: {  	_ =	strace $0x8FFFFFFF  }
0x98: {  	s18 =	sld [smem:$0x3FDB];
	_ =	sdelay $0x1  }
0x99: {  	s19 =	simm.s32 $_scs_section_size  }
0x9a: {  	s4 =	simm.s32 $_size__tile_overlayer_lowered;
	s5 =	simm.s32 $_tile_overlayer_lowered  }
0x9b: {  	s22 =	simm.s32 $0x1BFF;
	s21 =	sshll.u32 s5, $0x1;
	s2 =	sadd.s32 s19, s18  }
0x9c: {  	s6 =	simm.s32 $0x0;
	s20 =	sshll.u32 s4, $0x1;
	s4 =	sadd.s32 s21, s2  }
0x9d: {  	[timem:s6], [sflag:s22] =	dma.local [hbm:s4], s20  }
0x9e: {  	_ =	swait.ge [sflag:s22], s20  }
0x9f: {  	s3 =	ssub.s32 $0x0, s20;
	[sflag:s22] =	ssyncset.done $0x0  }
0xa0: {  	[sflag:s22] =	ssyncadd.s32 s3;
	_ =	sdelay $0x1  }
0xa1: {  	s23 =	simm.s32 $0x1B8B  }
0xa2: {  	_ =	swait.ge [sflag:s23], $0x1  }
0xa3: {  	[sflag:s23] =	ssyncset.done $0x0  }
0xa4: {  	s25 =	simm.s32 $0x1B8E;
	s24 =	sld [smem:$0x3FFE];
	[sflag:s23] =	ssyncadd.s32 $0xFFFFFFFF  }
0xa5: {  	s26 =	simm.s32 $execute0_lowered;
	[smem:$0x3FD2] =	sst s25  }
0xa6: {  	s4 =	sshll.u32 s26, $0x1;
	_ =	strace $0x80000046;
	[dreg:$0x1] =	wrdreg $0xFFFFFFFF  }
0xa7: {  	s28 =	simm.s32 $_size_execute0_lowered;
	s2 =	sadd.s32 s2, s4;
	[dreg:$0x0] =	wrdreg $0x0  }
0xa8: {  	s4 =	sshll.u32 s28, $0x1;
	[dreg:$0x2] =	wrdreg s2  }
0xa9: {  	[dreg:$0x3] =	wrdreg s4  }
0xaa: {  	[dreg:$0x4] =	wrdreg $0xC0  }
0xab: {  	_ =	task [dreg:s6], $0x5FFFF  }
0xac: {  	[dreg:$0x1] =	wrdreg $0xFFFFFFFF  }
0xad: {  	[dreg:$0x0] =	wrdreg $0x60  }
0xae: {  	[dreg:$0x2] =	wrdreg s24  }
0xaf: {  	[dreg:$0x3] =	wrdreg $0x9  }
0xb0: {  	_ =	task.clear_ibuf [dreg:s6], $0x4FFFF;
	_ =	strace $0x90000046  }
0xb1: {  	s29 =	simm.s32 $0x9;
	_ =	strace $0x80000048  }
0xb2: {  	_ =	swait.ge [sflag:s29], $0x1  }
0xb3: {  	[sflag:s29] =	ssyncadd.s32 $0xFFFFFFFF  }
0xb4: {  	_ =	strace $0x90000048  }
0xb5: {  	_ =	sfence  }
0xb6: {  	s30 =	sld [smem:$0x0];
	_ =	sdelay $0x2  }
0xb7: {  	s31 =	sshll.u32 s1, $0xD;
	s1 =	sshrl.u32 s1, $0x2  }
0xb8: {  	s3 =	sand.u32 $0x4000, s31;
	s1 =	sadd.s32 s1, s30  }
0xb9: {  	s0 =	sor.u32 s3, s0;
	s1 =	sshll.u32 s1, $0x11  }
0xba: {  	s0 =	sor.u32 s1, s0  }
0xbb: {  	s0 =	sadd.s32 $0x8F2B, s0  }
0xbc: {  	[sflag:s0] =	ssyncadd.remote.s32 $0x1  }
0xbd: {  	_ =	sfence.sel $0xFFFF  }
0xbe: {  	[dreg:$0x0] =	wrdreg $0xFFFFFFFF;
	(pc) =	sbr.abs _section_cstart, $3  }
0xbf: {  	[dreg:$0x1] =	wrdreg $0xFFFFFFFF  }
0xc0: {  	_ =	task.clear_ibuf [dreg:s6], $0x2FFFF;
	_ =	strace $0x9FFFFFFF  }
0xc1: {  	(tm) =	ssettm $0x7FFFFFFF  }
tec
execute0_lowered:
.L_overlay_start_1:
0x0: {  	(tag) =	ssettag $0x1  }
0x1: {  	s1 =	srdreg.scid  }
0x2: {  	s0 =	stileid.u32;
	s4 =	rddreg [dreg:$0x0]  }
0x3: {  	s2 =	simm.s32 $0x0;
	s9 =	simm.s32 $0x2;
	s10 =	simm.s32 $0x80  }
0x4: {  	s11 =	simm.s32 $0x1;
	s3 =	sand.u32 $0x1, s1;
	s5 =	sshll.u32 s0, $0x1  }
0x5: {  	s12 =	simm.s32 $0x8200;
	s13 =	simm.s32 $0x10400;
	s5 =	sor.u32 s3, s5  }
0x6: {  	s14 =	simm.s32 $0x0;
	[smem:$0x7FF] =	sst s2;
	s5 =	smul.u32 $0x1040, s5  }
0x7: {  	s1 =	rddreg [dreg:$0x1];
	_ =	strace $0x80000047;
	s6 =	ssub.s32 $0x2, s3  }
0x8: {  	s3 =	sadd.s32 $0x3400, s4;
	s31 =	sshrl.u32 s6, $0x1;
	s7 =	sadd.s32 s5, s4  }
0x9: {  	s8 =	ssub.s32 s6, s31;
	s4 =	sadd.s32 $0x1C3C00, s4;
	s5 =	sadd.s32 $0x1A3400, s7  }
0xa: {  	s8 =	smax.u32 s8, $0x1;
	s6 =	sadd.s32 $0x139400, s7;
	s7 =	sadd.s32 $0x159C00, s7  }
.LBB2_1:
0xb: {  	[tilespmem:s2], [sflag:$0x2] =	stream.linear.gather [hbm4b:s5+s2], $0x8200, $0x38;
	[tilespmem:$0x18600] =	vst v63  }
0xc: {  	_ =	swait.ge [sflag:s9], $0x8200  }
0xd: {  	[sflag:s9] =	ssyncset.done $0x0  }
0xe: {  	s16 =	simm.s32 $0x0;
	s15 =	simm.s32 $0x8200;
	[sflag:s9] =	ssyncadd.s32 $0xFFFF7E00  }
0xf: {  	[tilespmem:s15], [sflag:$0x1] =	stream.indirect.gather [hbm4b:s3+s10], $0x1, s16, s10, $0xb8;
	[tilespmem:$0x18600] =	vst v63  }
0x10: {  	s17 =	simm.s32 $0x10400;
	s15 =	simm.s32 $0x200  }
.LBB2_2:
0x11: {  	[tilespmem:s17], [sflag:$0x1] =	stream.indirect.gather [hbm4b:s4+s10], $0x1, s16, s10, $0xb8;
	[tilespmem:$0x18600] =	vst v63  }
0x12: {  	s16 =	smov.u32 s15;
	p0 =	sne.s32 s15, $0x20600  }
.Ltmp0:
0x13: {  	s15 =	sadd.s32 $0x200, s15;
	(pc) =	sbr.rel @p0 .LBB2_2-.Ltmp0, $4  }
0x14: {  	s16 =	sshra.s32 s16, $0x2  }
0x15: {  	s17 =	sadd.s32 $0x8200, s16  }
0x16: {  	[tilespmem:s17], [sflag:$0x1] =	stream.indirect.gather [hbm4b:s3+s10], $0x1, s16, s10, $0xb8;
	[tilespmem:$0x18600] =	vst v63  }
0x17: {  	s17 =	sadd.s32 $0x10400, s16  }
0x18: {  	[tilespmem:s17], [sflag:$0x1] =	stream.indirect.gather [hbm4b:s4+s10], $0x1, s16, s10, $0xb8;
	[tilespmem:$0x18600] =	vst v63  }
0x19: {  	_ =	swait.ge [sflag:s11], $0x80  }
0x1a: {  	[sflag:s11] =	ssyncset.done $0x0  }
0x1b: {  	[sflag:s11] =	ssyncadd.s32 $0xFFFFFF80  }
0x1c: {  	_ =	swait.ge [sflag:s11], $0x80  }
0x1d: {  	s15 =	simm.s32 $0x103;
	[sflag:s11] =	ssyncset.done $0x0  }
.LBB2_4:
0x1e: {  	p0 =	sne.s32 s15, $0x1;
	s15 =	sadd.s32 $0xFFFFFFFF, s15;
	[sflag:s11] =	ssyncadd.s32 $0xFFFFFF80  }
.Ltmp1:
0x1f: {  	_ =	swait.ge [sflag:s11], $0x80;
	(pc) =	sbr.rel @p0 .LBB2_4-.Ltmp1, $4  }
0x20: {  	[sflag:s11] =	ssyncset.done $0x0  }
0x21: {  	[sflag:s11] =	ssyncadd.s32 $0xFFFFFF80  }
0x22: {  	_ =	swait.ge [sflag:s11], $0x80  }
0x23: {  	[sflag:s11] =	ssyncset.done $0x0  }
0x24: {  	[sflag:s11] =	ssyncadd.s32 $0xFFFFFF80  }
0x25: {  	[hbm4b:s6+s2] =	stream.linear.scatter [tilespmem:s12], [sflag:$0x2], $0x8200, $0x38;
	[tilespmem:$0x18600] =	vst v63  }
0x26: {  	s14 =	sadd.s32 $0x1, s14;
	_ =	swait.ge [sflag:s9], $0x8200  }
0x27: {  	p0 =	sne.s32 s14, s8;
	[sflag:s9] =	ssyncset.done $0x0  }
.Ltmp2:
0x28: {  	[sflag:s9] =	ssyncadd.s32 $0xFFFF7E00;
	(pc) =	sbr.rel @p0 .LBB2_1-.Ltmp2, $4  }
0x29: {  	[hbm4b:s7+s2] =	stream.linear.scatter [tilespmem:s13], [sflag:$0x2], $0x8200, $0x38;
	[tilespmem:$0x18600] =	vst v63  }
0x2a: {  	_ =	swait.ge [sflag:s9], $0x8200  }
0x2b: {  	[sflag:s9] =	ssyncset.done $0x0  }
0x2c: {  	[sflag:s9] =	ssyncadd.s32 $0xFFFF7E00  }
0x2d: {  	_ =	sfence.sel $0x180000  }
0x2e: {  	[bflag:$0x0] =	sbarrier.arrive $0xFFFF  }
0x2f: {  	p0 =	sne.s32 s0, $0x0;
	_ =	strace $0x90000047  }
0x30: {  	s0 =	sadd.s32 @!p0 $0x100000, s1;
	[bflag:$0x2] =	sbarrier.arrive $0xFFFF  }
0x31: {  	[sflag:s0] =	ssyncadd.tile.s32 @!p0 $0x1;
	_ =	shalt  }
.Lfunc_end2:
_tile_overlayer_lowered:
.L_overlay_start_2:
0x32: {  	(tag) =	ssettag $0x2  }
0x33: {  	s0 =	rddreg [dreg:$0x0];
	s2 =	stileid.u32  }
0x34: {  	s1 =	rddreg [dreg:$0x1];
	p0 =	sne.s32 s2, $0x0  }
0x35: {  	s3 =	rddreg [dreg:$0x2];
	[bflag:$0x3] =	sbarrier.arrive $0xFFFF;
	s2 =	simm.s32 @!p0 $0x1C02  }
0x36: {  	[timem:s3], [sflag:s2] =	dma.local @!p0 [hbm:s0], s1  }
0x37: {  	s0 =	simm.s32 @!p0 $0x2  }
0x38: {  	_ =	swait.ge @!p0 [sflag:s0], s1  }
0x39: {  	s1 =	ssub.s32 @!p0 $0x0, s1;
	[sflag:s0] =	ssyncset.done @!p0 $0x0  }
0x3a: {  	[sflag:s0] =	ssyncadd.s32 @!p0 s1  }
0x3b: {  	[bflag:$0x3] =	sbarrier.arrive $0xFFFF  }
0x3c: {  	_ =	shalt  }

</sc_bundles>
